<compile_context>
chip_gen: v7x
topology: tpu7x:2x2x1
jax: 0.10.2.dev20260603
libtpu: 0.0.44.dev20260713+nightly
codegen_flags: <defaults>
</compile_context>

<pallas_src>
import functools

import jax
import jax.numpy as jnp
from jax.experimental import pallas as pl
from jax.experimental.pallas import tpu as pltpu
from jax.experimental.pallas import tpu_sc as plsc

NUM_BINS = 256
V_MIN = -4.0
V_MAX = 4.0
BIN_W = (V_MAX - V_MIN) / NUM_BINS
HALF_W = 0.5 * BIN_W
N = 33554432

TC_BLOCK = 1048576

SC_LANES = 16
SC_CHUNK = 16384
SC_BLOCKS = N // SC_CHUNK

_C = 262148.0
_CLIP_LO = V_MIN + HALF_W
_CLIP_HI = V_MAX - HALF_W


def _round_to_grid(xv):
    xc = jnp.minimum(jnp.maximum(xv, _CLIP_LO), _CLIP_HI)
    r = (xc + _C) - _C
    return xc, r


def _tc_idx_body(x_ref, idx_ref):
    xc, r = _round_to_grid(x_ref[...])
    m = ((r + (-V_MIN + HALF_W)) * (1.0 / BIN_W)).astype(jnp.int32)
    idx_ref[...] = jnp.where(xc > r, m, m - 1)


def _tc_idx(x1):
    return pl.pallas_call(
        _tc_idx_body,
        grid=(N // TC_BLOCK,),
        in_specs=[pl.BlockSpec((TC_BLOCK,), lambda i: (i,))],
        out_specs=pl.BlockSpec((TC_BLOCK,), lambda i: (i,)),
        out_shape=jax.ShapeDtypeStruct((N,), jnp.int32),
        compiler_params=pltpu.CompilerParams(
            dimension_semantics=("arbitrary",)),
    )(x1)


SC_WORKERS = 32
SC_SHARD = N // SC_WORKERS
SC_NCHUNK = SC_SHARD // SC_CHUNK


def _sc_compute(x_v, xhat_v):
    @plsc.parallel_loop(0, SC_CHUNK, step=SC_LANES, unroll=8)
    def _(c):
        s = pl.ds(c, SC_LANES)
        xc, r = _round_to_grid(x_v.at[s][...])
        xhat_v.at[s][...] = r + jnp.where(xc > r, HALF_W, -HALF_W).astype(
            jnp.float32)


def _sc_xhat(x1):
    mesh = plsc.VectorSubcoreMesh(core_axis_name="c", subcore_axis_name="s")

    @functools.partial(
        pl.kernel,
        out_type=jax.ShapeDtypeStruct((N,), jnp.float32),
        mesh=mesh,
        scratch_types=[
            pltpu.VMEM((SC_CHUNK,), jnp.float32),
            pltpu.VMEM((SC_CHUNK,), jnp.float32),
            pltpu.VMEM((SC_CHUNK,), jnp.float32),
            pltpu.VMEM((SC_CHUNK,), jnp.float32),
            pltpu.SemaphoreType.DMA,
            pltpu.SemaphoreType.DMA,
            pltpu.SemaphoreType.DMA,
            pltpu.SemaphoreType.DMA,
        ],
    )
    def k(x_hbm, xhat_hbm, in0, in1, out0, out1, si0, si1, so0, so1):
        wid = jax.lax.axis_index("s") * 2 + jax.lax.axis_index("c")
        base = wid * SC_SHARD
        ins, outs = (in0, in1), (out0, out1)
        sis, sos = (si0, si1), (so0, so1)
        pltpu.async_copy(x_hbm.at[pl.ds(base, SC_CHUNK)], in0, si0)
        pltpu.async_copy(x_hbm.at[pl.ds(base + SC_CHUNK, SC_CHUNK)], in1, si1)

        @pl.loop(0, SC_NCHUNK, step=2)
        def _(g):
            for b in range(2):
                j = g + b
                off = base + j * SC_CHUNK
                pltpu.make_async_copy(
                    x_hbm.at[pl.ds(off, SC_CHUNK)], ins[b], sis[b]).wait()

                @pl.when(j >= 2)
                def _():
                    pltpu.make_async_copy(
                        outs[b],
                        xhat_hbm.at[pl.ds(off - 2 * SC_CHUNK, SC_CHUNK)],
                        sos[b]).wait()

                _sc_compute(ins[b], outs[b])
                pltpu.async_copy(
                    outs[b], xhat_hbm.at[pl.ds(off, SC_CHUNK)], sos[b])

                @pl.when(j + 2 < SC_NCHUNK)
                def _():
                    pltpu.async_copy(
                        x_hbm.at[pl.ds(off + 2 * SC_CHUNK, SC_CHUNK)],
                        ins[b], sis[b])

        pltpu.make_async_copy(
            out0, xhat_hbm.at[pl.ds(base + (SC_NCHUNK - 2) * SC_CHUNK,
                                    SC_CHUNK)], so0).wait()
        pltpu.make_async_copy(
            out1, xhat_hbm.at[pl.ds(base + (SC_NCHUNK - 1) * SC_CHUNK,
                                    SC_CHUNK)], so1).wait()

    return k(x1)


def kernel(x, edges, centres):
    xhat = _sc_xhat(x)
    idx = _tc_idx(x)
    return idx, xhat

# --- scband reference (transcript-rebuilt; emitter-appended) ---
"""Pipeline reference for scband-uniform-quantizer-2619930050733 (READ-ONLY COPY).

The authoritative reference and input builder live on the scoring server;
editing this copy changes nothing except your own understanding.
"""

import jax, jax.numpy as jnp
import numpy as np

NUM_BINS = 256
V_MIN = -4.0
V_MAX = 4.0
N = 33554432


def setup_inputs(seed: int = 0) -> dict:
    key = jax.random.key(seed)
    x = jax.random.normal(key, (N,), dtype=jnp.float32) * 2.0
    edges = jnp.linspace(V_MIN, V_MAX, NUM_BINS + 1, dtype=jnp.float32)
    centres = (edges[:-1] + edges[1:]) / 2.0
    return {"x": x, "edges": edges, "centres": centres}


def reference(x, edges, centres):
    num_bins = centres.shape[0]
    v_min = edges[0]
    v_max = edges[-1]
    x_clamped = jnp.clip(x, v_min, v_max)
    # torch.bucketize(x, edges) with right=False == searchsorted side='left'
    idx = jnp.searchsorted(edges, x_clamped, side='left') - 1
    idx = jnp.clip(idx, 0, num_bins - 1)
    x_hat = centres[idx]
    return (idx, x_hat)

if __name__ == "__main__":
    import jax
    _d = setup_inputs()
    print(jax.jit(kernel)(*tuple(_d.values())))

</pallas_src>

<mosaic_0001>
#map = affine_map<(d0, d1) -> (0)>
module attributes {stable_mosaic.version = 14 : i64} {
  func.func @k(%arg0: i32, %arg1: i32, %arg2: memref<33554432xf32, #tpu.memory_space<hbm>>, %arg3: memref<33554432xf32, #tpu.memory_space<hbm>>, %arg4: memref<16384xf32, #tpu.memory_space<vmem>>, %arg5: memref<16384xf32, #tpu.memory_space<vmem>>, %arg6: memref<16384xf32, #tpu.memory_space<vmem>>, %arg7: memref<16384xf32, #tpu.memory_space<vmem>>, %arg8: memref<!tpu.dma_semaphore, #tpu.memory_space<semaphore_mem>>, %arg9: memref<!tpu.dma_semaphore, #tpu.memory_space<semaphore_mem>>, %arg10: memref<!tpu.dma_semaphore, #tpu.memory_space<semaphore_mem>>, %arg11: memref<!tpu.dma_semaphore, #tpu.memory_space<semaphore_mem>>) attributes {dimension_semantics = [#tpu.dimension_semantics<core_parallel>, #tpu.dimension_semantics<subcore_parallel>], iteration_bounds = array<i64: 2, 16>, scalar_prefetch = 0 : i64, scratch_operands = 8 : i64, tpu.core_type = #tpu.core_type<sc_vector_subcore>, window_params = [{transform_indices = #map}, {transform_indices = #map}]} {
    %mul3A = arith.constant 2 : i32
    %mul3A_0 = arith.muli %arg1, %mul3A : i32
    %add3A = arith.addi %mul3A_0, %arg0 : i32
    %mul3A_1 = arith.constant 1048576 : i32
    %mul3A_2 = arith.muli %add3A, %mul3A_1 : i32
    %dma_start3A = tpu.memref_slice %arg2[%mul3A_2] : memref<33554432xf32, #tpu.memory_space<hbm>> -> memref<16384xf32, #tpu.memory_space<hbm>>
    %dma_start3A_3 = tpu.memref_slice %arg2[%mul3A_2] : memref<33554432xf32, #tpu.memory_space<hbm>> -> memref<16384xf32, #tpu.memory_space<hbm>>
    tpu.enqueue_dma source(%dma_start3A_3 : memref<16384xf32, #tpu.memory_space<hbm>>) target(%arg4 : memref<16384xf32, #tpu.memory_space<vmem>>) target_semaphore(%arg8 : memref<!tpu.dma_semaphore, #tpu.memory_space<semaphore_mem>>)
    %add3A_4 = arith.constant 16384 : i32
    %add3A_5 = arith.addi %mul3A_2, %add3A_4 : i32
    %dma_start3A_6 = tpu.memref_slice %arg2[%add3A_5] : memref<33554432xf32, #tpu.memory_space<hbm>> -> memref<16384xf32, #tpu.memory_space<hbm>>
    %dma_start3A_7 = tpu.memref_slice %arg2[%add3A_5] : memref<33554432xf32, #tpu.memory_space<hbm>> -> memref<16384xf32, #tpu.memory_space<hbm>>
    tpu.enqueue_dma source(%dma_start3A_7 : memref<16384xf32, #tpu.memory_space<hbm>>) target(%arg5 : memref<16384xf32, #tpu.memory_space<vmem>>) target_semaphore(%arg9 : memref<!tpu.dma_semaphore, #tpu.memory_space<semaphore_mem>>)
    %scan3A = arith.constant 0 : i32
    %scan3A_8 = arith.constant 32 : i32
    %scan3A_9 = arith.addi %scan3A, %scan3A_8 : i32
    %scan3A_10 = arith.constant 1 : i32
    scf.for %scan3A_19 = %scan3A to %scan3A_9 step %scan3A_10  : i32 {
      %mul3A_20 = arith.constant 2 : i32
      %mul3A_21 = arith.muli %scan3A_19, %mul3A_20 : i32
      %add3A_22 = arith.constant 0 : i32
      %add3A_23 = arith.addi %add3A_22, %mul3A_21 : i32
      %add3A_24 = arith.constant 0 : i32
      %add3A_25 = arith.addi %add3A_23, %add3A_24 : i32
      %mul3A_26 = arith.constant 16384 : i32
      %mul3A_27 = arith.muli %add3A_25, %mul3A_26 : i32
      %add3A_28 = arith.addi %mul3A_2, %mul3A_27 : i32
      %dma_wait3A_29 = tpu.memref_slice %arg2[%add3A_28] : memref<33554432xf32, #tpu.memory_space<hbm>> -> memref<16384xf32, #tpu.memory_space<hbm>>
      %dma_wait3A_30 = tpu.memref_slice %arg2[%add3A_28] : memref<33554432xf32, #tpu.memory_space<hbm>> -> memref<16384xf32, #tpu.memory_space<hbm>>
      tpu.wait_dma2 semaphore(%arg8 : memref<!tpu.dma_semaphore, #tpu.memory_space<semaphore_mem>>) src(%dma_wait3A_30 : memref<16384xf32, #tpu.memory_space<hbm>>) dst(%arg4 : memref<16384xf32, #tpu.memory_space<vmem>>)
      %ge3A = arith.constant 2 : i32
      %ge3A_31 = arith.cmpi sge, %add3A_25, %ge3A : i32
      %convert_element_type3A = arith.extui %ge3A_31 : i1 to i32
      %cond3A = arith.constant 0 : i32
      %cond3A_32 = arith.cmpi ne, %convert_element_type3A, %cond3A : i32
      scf.if %cond3A_32 {
        %sub3A = arith.constant 32768 : i32
        %sub3A_67 = arith.subi %add3A_28, %sub3A : i32
        %dma_wait3A_68 = tpu.memref_slice %arg3[%sub3A_67] : memref<33554432xf32, #tpu.memory_space<hbm>> -> memref<16384xf32, #tpu.memory_space<hbm>>
        %dma_wait3A_69 = tpu.memref_slice %arg3[%sub3A_67] : memref<33554432xf32, #tpu.memory_space<hbm>> -> memref<16384xf32, #tpu.memory_space<hbm>>
        tpu.wait_dma2 semaphore(%arg10 : memref<!tpu.dma_semaphore, #tpu.memory_space<semaphore_mem>>) src(%arg6 : memref<16384xf32, #tpu.memory_space<vmem>>) dst(%dma_wait3A_69 : memref<16384xf32, #tpu.memory_space<hbm>>)
      } else {
      }
      %parallel_loop3A = arith.constant 0 : i32
      %parallel_loop3A_33 = arith.constant 16384 : i32
      %parallel_loop3A_34 = arith.constant 16 : i32
      scf.for %parallel_loop3A_67 = %parallel_loop3A to %parallel_loop3A_33 step %parallel_loop3A_34  : i32 {
        %parallel_loop3A_68 = arith.index_cast %parallel_loop3A_67 : i32 to index
        %parallel_loop3A_69 = tpu.vector_load %arg4[%parallel_loop3A_68] {strides = array<i32>} : memref<16384xf32, #tpu.memory_space<vmem>>, vector<16xf32>,
        %parallel_loop3A_70 = vector.shape_cast %parallel_loop3A_69 : vector<16xf32> to vector<16xf32>
        %parallel_loop3A_71 = arith.constant -3.984375 : f32
        %parallel_loop3A_72 = vector.broadcast %parallel_loop3A_71 : f32 to vector<16xf32>
        %parallel_loop3A_73 = arith.maximumf %parallel_loop3A_70, %parallel_loop3A_72 : vector<16xf32>
        %parallel_loop3A_74 = arith.constant 3.984375 : f32
        %parallel_loop3A_75 = vector.broadcast %parallel_loop3A_74 : f32 to vector<16xf32>
        %parallel_loop3A_76 = arith.minimumf %parallel_loop3A_73, %parallel_loop3A_75 : vector<16xf32>
        %parallel_loop3A_77 = arith.constant 2.621480e+05 : f32
        %parallel_loop3A_78 = vector.broadcast %parallel_loop3A_77 : f32 to vector<16xf32>
        %parallel_loop3A_79 = arith.addf %parallel_loop3A_76, %parallel_loop3A_78 : vector<16xf32>
        %parallel_loop3A_80 = arith.constant 2.621480e+05 : f32
        %parallel_loop3A_81 = vector.broadcast %parallel_loop3A_80 : f32 to vector<16xf32>
        %parallel_loop3A_82 = arith.subf %parallel_loop3A_79, %parallel_loop3A_81 : vector<16xf32>
        %parallel_loop3A_83 = arith.cmpf ogt, %parallel_loop3A_76, %parallel_loop3A_82 : vector<16xf32>
        %parallel_loop3A_84 = arith.constant 1.562500e-02 : f32
        %parallel_loop3A_85 = arith.constant -1.562500e-02 : f32
        %parallel_loop3A_86 = vector.broadcast %parallel_loop3A_84 : f32 to vector<16xf32>
        %parallel_loop3A_87 = vector.broadcast %parallel_loop3A_85 : f32 to vector<16xf32>
        %parallel_loop3A_88 = arith.select %parallel_loop3A_83, %parallel_loop3A_86, %parallel_loop3A_87 : vector<16xi1>, vector<16xf32>
        %parallel_loop3A_89 = arith.addf %parallel_loop3A_82, %parallel_loop3A_88 : vector<16xf32>
        %parallel_loop3A_90 = arith.index_cast %parallel_loop3A_67 : i32 to index
        %parallel_loop3A_91 = tpu.vector_load %arg6[%parallel_loop3A_90] {strides = array<i32>} : memref<16384xf32, #tpu.memory_space<vmem>>, vector<16xf32>,
        %parallel_loop3A_92 = vector.shape_cast %parallel_loop3A_91 : vector<16xf32> to vector<16xf32>
        %parallel_loop3A_93 = vector.shape_cast %parallel_loop3A_89 : vector<16xf32> to vector<16xf32>
        tpu.vector_store %arg6[%parallel_loop3A_90], %parallel_loop3A_93 {strides = array<i32>} : memref<16384xf32, #tpu.memory_space<vmem>>, vector<16xf32>,
      } {sc.loop_unroll_factor = 8 : i64, sc.parallel_access}
      %dma_start3A_35 = tpu.memref_slice %arg3[%add3A_28] : memref<33554432xf32, #tpu.memory_space<hbm>> -> memref<16384xf32, #tpu.memory_space<hbm>>
      %dma_start3A_36 = tpu.memref_slice %arg3[%add3A_28] : memref<33554432xf32, #tpu.memory_space<hbm>> -> memref<16384xf32, #tpu.memory_space<hbm>>
      tpu.enqueue_dma source(%arg6 : memref<16384xf32, #tpu.memory_space<vmem>>) target(%dma_start3A_36 : memref<16384xf32, #tpu.memory_space<hbm>>) target_semaphore(%arg10 : memref<!tpu.dma_semaphore, #tpu.memory_space<semaphore_mem>>)
      %add3A_37 = arith.constant 2 : i32
      %add3A_38 = arith.addi %add3A_25, %add3A_37 : i32
      %lt3A = arith.constant 64 : i32
      %lt3A_39 = arith.cmpi slt, %add3A_38, %lt3A : i32
      %convert_element_type3A_40 = arith.extui %lt3A_39 : i1 to i32
      %cond3A_41 = arith.constant 0 : i32
      %cond3A_42 = arith.cmpi ne, %convert_element_type3A_40, %cond3A_41 : i32
      scf.if %cond3A_42 {
        %add3A_67 = arith.constant 32768 : i32
        %add3A_68 = arith.addi %add3A_28, %add3A_67 : i32
        %dma_start3A_69 = tpu.memref_slice %arg2[%add3A_68] : memref<33554432xf32, #tpu.memory_space<hbm>> -> memref<16384xf32, #tpu.memory_space<hbm>>
        %dma_start3A_70 = tpu.memref_slice %arg2[%add3A_68] : memref<33554432xf32, #tpu.memory_space<hbm>> -> memref<16384xf32, #tpu.memory_space<hbm>>
        tpu.enqueue_dma source(%dma_start3A_70 : memref<16384xf32, #tpu.memory_space<hbm>>) target(%arg4 : memref<16384xf32, #tpu.memory_space<vmem>>) target_semaphore(%arg8 : memref<!tpu.dma_semaphore, #tpu.memory_space<semaphore_mem>>)
      } else {
      }
      %add3A_43 = arith.constant 1 : i32
      %add3A_44 = arith.addi %add3A_23, %add3A_43 : i32
      %mul3A_45 = arith.constant 16384 : i32
      %mul3A_46 = arith.muli %add3A_44, %mul3A_45 : i32
      %add3A_47 = arith.addi %mul3A_2, %mul3A_46 : i32
      %dma_wait3A_48 = tpu.memref_slice %arg2[%add3A_47] : memref<33554432xf32, #tpu.memory_space<hbm>> -> memref<16384xf32, #tpu.memory_space<hbm>>
      %dma_wait3A_49 = tpu.memref_slice %arg2[%add3A_47] : memref<33554432xf32, #tpu.memory_space<hbm>> -> memref<16384xf32, #tpu.memory_space<hbm>>
      tpu.wait_dma2 semaphore(%arg9 : memref<!tpu.dma_semaphore, #tpu.memory_space<semaphore_mem>>) src(%dma_wait3A_49 : memref<16384xf32, #tpu.memory_space<hbm>>) dst(%arg5 : memref<16384xf32, #tpu.memory_space<vmem>>)
      %ge3A_50 = arith.constant 2 : i32
      %ge3A_51 = arith.cmpi sge, %add3A_44, %ge3A_50 : i32
      %convert_element_type3A_52 = arith.extui %ge3A_51 : i1 to i32
      %cond3A_53 = arith.constant 0 : i32
      %cond3A_54 = arith.cmpi ne, %convert_element_type3A_52, %cond3A_53 : i32
      scf.if %cond3A_54 {
        %sub3A = arith.constant 32768 : i32
        %sub3A_67 = arith.subi %add3A_47, %sub3A : i32
        %dma_wait3A_68 = tpu.memref_slice %arg3[%sub3A_67] : memref<33554432xf32, #tpu.memory_space<hbm>> -> memref<16384xf32, #tpu.memory_space<hbm>>
        %dma_wait3A_69 = tpu.memref_slice %arg3[%sub3A_67] : memref<33554432xf32, #tpu.memory_space<hbm>> -> memref<16384xf32, #tpu.memory_space<hbm>>
        tpu.wait_dma2 semaphore(%arg11 : memref<!tpu.dma_semaphore, #tpu.memory_space<semaphore_mem>>) src(%arg7 : memref<16384xf32, #tpu.memory_space<vmem>>) dst(%dma_wait3A_69 : memref<16384xf32, #tpu.memory_space<hbm>>)
      } else {
      }
      %parallel_loop3A_55 = arith.constant 0 : i32
      %parallel_loop3A_56 = arith.constant 16384 : i32
      %parallel_loop3A_57 = arith.constant 16 : i32
      scf.for %parallel_loop3A_67 = %parallel_loop3A_55 to %parallel_loop3A_56 step %parallel_loop3A_57  : i32 {
        %parallel_loop3A_68 = arith.index_cast %parallel_loop3A_67 : i32 to index
        %parallel_loop3A_69 = tpu.vector_load %arg5[%parallel_loop3A_68] {strides = array<i32>} : memref<16384xf32, #tpu.memory_space<vmem>>, vector<16xf32>,
        %parallel_loop3A_70 = vector.shape_cast %parallel_loop3A_69 : vector<16xf32> to vector<16xf32>
        %parallel_loop3A_71 = arith.constant -3.984375 : f32
        %parallel_loop3A_72 = vector.broadcast %parallel_loop3A_71 : f32 to vector<16xf32>
        %parallel_loop3A_73 = arith.maximumf %parallel_loop3A_70, %parallel_loop3A_72 : vector<16xf32>
        %parallel_loop3A_74 = arith.constant 3.984375 : f32
        %parallel_loop3A_75 = vector.broadcast %parallel_loop3A_74 : f32 to vector<16xf32>
        %parallel_loop3A_76 = arith.minimumf %parallel_loop3A_73, %parallel_loop3A_75 : vector<16xf32>
        %parallel_loop3A_77 = arith.constant 2.621480e+05 : f32
        %parallel_loop3A_78 = vector.broadcast %parallel_loop3A_77 : f32 to vector<16xf32>
        %parallel_loop3A_79 = arith.addf %parallel_loop3A_76, %parallel_loop3A_78 : vector<16xf32>
        %parallel_loop3A_80 = arith.constant 2.621480e+05 : f32
        %parallel_loop3A_81 = vector.broadcast %parallel_loop3A_80 : f32 to vector<16xf32>
        %parallel_loop3A_82 = arith.subf %parallel_loop3A_79, %parallel_loop3A_81 : vector<16xf32>
        %parallel_loop3A_83 = arith.cmpf ogt, %parallel_loop3A_76, %parallel_loop3A_82 : vector<16xf32>
        %parallel_loop3A_84 = arith.constant 1.562500e-02 : f32
        %parallel_loop3A_85 = arith.constant -1.562500e-02 : f32
        %parallel_loop3A_86 = vector.broadcast %parallel_loop3A_84 : f32 to vector<16xf32>
        %parallel_loop3A_87 = vector.broadcast %parallel_loop3A_85 : f32 to vector<16xf32>
        %parallel_loop3A_88 = arith.select %parallel_loop3A_83, %parallel_loop3A_86, %parallel_loop3A_87 : vector<16xi1>, vector<16xf32>
        %parallel_loop3A_89 = arith.addf %parallel_loop3A_82, %parallel_loop3A_88 : vector<16xf32>
        %parallel_loop3A_90 = arith.index_cast %parallel_loop3A_67 : i32 to index
        %parallel_loop3A_91 = tpu.vector_load %arg7[%parallel_loop3A_90] {strides = array<i32>} : memref<16384xf32, #tpu.memory_space<vmem>>, vector<16xf32>,
        %parallel_loop3A_92 = vector.shape_cast %parallel_loop3A_91 : vector<16xf32> to vector<16xf32>
        %parallel_loop3A_93 = vector.shape_cast %parallel_loop3A_89 : vector<16xf32> to vector<16xf32>
        tpu.vector_store %arg7[%parallel_loop3A_90], %parallel_loop3A_93 {strides = array<i32>} : memref<16384xf32, #tpu.memory_space<vmem>>, vector<16xf32>,
      } {sc.loop_unroll_factor = 8 : i64, sc.parallel_access}
      %dma_start3A_58 = tpu.memref_slice %arg3[%add3A_47] : memref<33554432xf32, #tpu.memory_space<hbm>> -> memref<16384xf32, #tpu.memory_space<hbm>>
      %dma_start3A_59 = tpu.memref_slice %arg3[%add3A_47] : memref<33554432xf32, #tpu.memory_space<hbm>> -> memref<16384xf32, #tpu.memory_space<hbm>>
      tpu.enqueue_dma source(%arg7 : memref<16384xf32, #tpu.memory_space<vmem>>) target(%dma_start3A_59 : memref<16384xf32, #tpu.memory_space<hbm>>) target_semaphore(%arg11 : memref<!tpu.dma_semaphore, #tpu.memory_space<semaphore_mem>>)
      %add3A_60 = arith.constant 2 : i32
      %add3A_61 = arith.addi %add3A_44, %add3A_60 : i32
      %lt3A_62 = arith.constant 64 : i32
      %lt3A_63 = arith.cmpi slt, %add3A_61, %lt3A_62 : i32
      %convert_element_type3A_64 = arith.extui %lt3A_63 : i1 to i32
      %cond3A_65 = arith.constant 0 : i32
      %cond3A_66 = arith.cmpi ne, %convert_element_type3A_64, %cond3A_65 : i32
      scf.if %cond3A_66 {
        %add3A_67 = arith.constant 32768 : i32
        %add3A_68 = arith.addi %add3A_47, %add3A_67 : i32
        %dma_start3A_69 = tpu.memref_slice %arg2[%add3A_68] : memref<33554432xf32, #tpu.memory_space<hbm>> -> memref<16384xf32, #tpu.memory_space<hbm>>
        %dma_start3A_70 = tpu.memref_slice %arg2[%add3A_68] : memref<33554432xf32, #tpu.memory_space<hbm>> -> memref<16384xf32, #tpu.memory_space<hbm>>
        tpu.enqueue_dma source(%dma_start3A_70 : memref<16384xf32, #tpu.memory_space<hbm>>) target(%arg5 : memref<16384xf32, #tpu.memory_space<vmem>>) target_semaphore(%arg9 : memref<!tpu.dma_semaphore, #tpu.memory_space<semaphore_mem>>)
      } else {
      }
    }
    %scan3A_11 = arith.constant 32 : i32
    %add3A_12 = arith.constant 1015808 : i32
    %add3A_13 = arith.addi %mul3A_2, %add3A_12 : i32
    %dma_wait3A = tpu.memref_slice %arg3[%add3A_13] : memref<33554432xf32, #tpu.memory_space<hbm>> -> memref<16384xf32, #tpu.memory_space<hbm>>
    %dma_wait3A_14 = tpu.memref_slice %arg3[%add3A_13] : memref<33554432xf32, #tpu.memory_space<hbm>> -> memref<16384xf32, #tpu.memory_space<hbm>>
    tpu.wait_dma2 semaphore(%arg10 : memref<!tpu.dma_semaphore, #tpu.memory_space<semaphore_mem>>) src(%arg6 : memref<16384xf32, #tpu.memory_space<vmem>>) dst(%dma_wait3A_14 : memref<16384xf32, #tpu.memory_space<hbm>>)
    %add3A_15 = arith.constant 1032192 : i32
    %add3A_16 = arith.addi %mul3A_2, %add3A_15 : i32
    %dma_wait3A_17 = tpu.memref_slice %arg3[%add3A_16] : memref<33554432xf32, #tpu.memory_space<hbm>> -> memref<16384xf32, #tpu.memory_space<hbm>>
    %dma_wait3A_18 = tpu.memref_slice %arg3[%add3A_16] : memref<33554432xf32, #tpu.memory_space<hbm>> -> memref<16384xf32, #tpu.memory_space<hbm>>
    tpu.wait_dma2 semaphore(%arg11 : memref<!tpu.dma_semaphore, #tpu.memory_space<semaphore_mem>>) src(%arg7 : memref<16384xf32, #tpu.memory_space<vmem>>) dst(%dma_wait3A_18 : memref<16384xf32, #tpu.memory_space<hbm>>)
    return
  }
}

module attributes {stable_mosaic.version = 14 : i64} {
  func.func @_tc_idx_body(%arg0: i32, %arg1: memref<1048576xf32, #tpu.memory_space<vmem>>, %arg2: memref<1048576xi32, #tpu.memory_space<vmem>>) attributes {dimension_semantics = [#tpu.dimension_semantics<arbitrary>], iteration_bounds = array<i64: 32>, scalar_prefetch = 0 : i64, scratch_operands = 0 : i64, tpu.core_type = #tpu.core_type<tc>, window_params = [{transform_indices = @transform_0, window_bounds = array<i64: 1048576>}, {transform_indices = @transform_1, window_bounds = array<i64: 1048576>}]} {
    %get3A = arith.constant 0 : index
    %get3A_0 = vector.load %arg1[%get3A] : memref<1048576xf32, #tpu.memory_space<vmem>>, vector<1048576xf32>
    %max3A = arith.constant -3.984375 : f32
    %max3A_1 = vector.broadcast %max3A : f32 to vector<1048576xf32>
    %max3A_2 = arith.maximumf %get3A_0, %max3A_1 : vector<1048576xf32>
    %min3A = arith.constant 3.984375 : f32
    %min3A_3 = vector.broadcast %min3A : f32 to vector<1048576xf32>
    %min3A_4 = arith.minimumf %max3A_2, %min3A_3 : vector<1048576xf32>
    %add3A = arith.constant 2.621480e+05 : f32
    %add3A_5 = vector.broadcast %add3A : f32 to vector<1048576xf32>
    %add3A_6 = arith.addf %min3A_4, %add3A_5 : vector<1048576xf32>
    %sub3A = arith.constant 2.621480e+05 : f32
    %sub3A_7 = vector.broadcast %sub3A : f32 to vector<1048576xf32>
    %sub3A_8 = arith.subf %add3A_6, %sub3A_7 : vector<1048576xf32>
    %add3A_9 = arith.constant 4.015625 : f32
    %add3A_10 = vector.broadcast %add3A_9 : f32 to vector<1048576xf32>
    %add3A_11 = arith.addf %sub3A_8, %add3A_10 : vector<1048576xf32>
    %mul3A = arith.constant 3.200000e+01 : f32
    %mul3A_12 = vector.broadcast %mul3A : f32 to vector<1048576xf32>
    %mul3A_13 = arith.mulf %add3A_11, %mul3A_12 : vector<1048576xf32>
    %convert_element_type3A = arith.fptosi %mul3A_13 : vector<1048576xf32> to vector<1048576xi32>
    %gt3A = arith.cmpf ogt, %min3A_4, %sub3A_8 : vector<1048576xf32>
    %sub3A_14 = arith.constant 1 : i32
    %sub3A_15 = vector.broadcast %sub3A_14 : i32 to vector<1048576xi32>
    %sub3A_16 = arith.subi %convert_element_type3A, %sub3A_15 : vector<1048576xi32>
    %select_n3A = arith.select %gt3A, %convert_element_type3A, %sub3A_16 : vector<1048576xi1>, vector<1048576xi32>
    %swap3A = arith.constant 0 : index
    %swap3A_17 = vector.load %arg2[%swap3A] : memref<1048576xi32, #tpu.memory_space<vmem>>, vector<1048576xi32>
    tpu.vector_store %arg2[%swap3A], %select_n3A {strides = array<i32>} : memref<1048576xi32, #tpu.memory_space<vmem>>, vector<1048576xi32>,
    return
  }
  func.func @transform_0(%arg0: i32) -> i32 {
    %c0_i32 = arith.constant 0 : i32
    return %arg0 : i32
  }
  func.func @transform_1(%arg0: i32) -> i32 {
    %c0_i32 = arith.constant 0 : i32
    return %arg0 : i32
  }
}

</mosaic_0001>

<sc_bundles>
// kernel: kernel.4.cloned.1.call-start
scs
__scs_entry_jumppad:
0x0: {  	(pc) =	sbr.rel $0x88, $3  }
0x1: {  	(tag) =	ssettag $0x0;
	lr =	simm.s32 $0x1  }
0x2: {  	[smem:$0x3FA0] =	sst lr;
	_ =	strace $0xD0000000  }
0x3: {  	_ = 	snop  }
0x4: {  	_ = 	snop  }
0x5: {  	_ = 	snop  }
0x6: {  	_ = 	snop  }
0x7: {  	_ = 	snop  }
__scs_overlays_trampoline_lowered:
0x8: {  	[smem:$0x3FAF] =	sst s0  }
0x9: {  	[smem:$0x3FB0] =	sst s1  }
0xa: {  	[smem:$0x3FB1] =	sst s2  }
0xb: {  	[smem:$0x3FB2] =	sst s3  }
0xc: {  	[smem:$0x3FB3] =	sst s4  }
0xd: {  	[smem:$0x3FB4] =	sst s5  }
0xe: {  	[smem:$0x3FB5] =	sst s6  }
0xf: {  	[smem:$0x3FB6] =	sst s7  }
0x10: {  	[smem:$0x3FB7] =	sst s8  }
0x11: {  	[smem:$0x3FB8] =	sst s9;
	s0 =	simm.s32 @!p0 $0x0  }
0x12: {  	s1 =	sld [smem:$0x3F9E];
	s0 =	simm.s32 @p0 $0x1  }
0x13: {  	[smem:$0x3FB9] =	sst s0;
	s0 =	simm.s32 @!p1 $0x0  }
0x14: {  	s2 =	sld [smem:$0x3F9D];
	s0 =	simm.s32 @p1 $0x1  }
0x15: {  	[smem:$0x3FBA] =	sst s0;
	s0 =	simm.s32 @!p2 $0x0  }
0x16: {  	s3 =	sld [smem:$0x3FDB];
	s0 =	simm.s32 @p2 $0x1  }
0x17: {  	s4 =	simm.s32 $0x1BF5;
	[smem:$0x3FBC] =	sst s0  }
0x18: {  	s0 =	sld [smem:$0x3F9F];
	_ =	swait.ge [sflag:s4], $0x0  }
0x19: {  	s7 =	sld [smem:$0x3FA0]  }
0x1a: {  	s8 =	sadd.s32 $0xFFFFE003, lr  }
0x1b: {  	s9 =	sadd.s32 $0xFFFFFEF7, lr;
	s5 =	simm.s32 $0xFFFFFFFF;
	p2 =	slt.u32 s8, $0xFFFFF086  }
0x1c: {  	p1 =	slt.u32 s9, $0xF7A;
	s5 =	simm.s32 @!p2 $0x0  }
0x1d: {  	s5 =	simm.s32 @p1 $0x1;
	p0 =	seq.s32 s7, s2  }
0x1e: {  	s7 =	smul.u32 @!p0 $0xF7A, s2;
	p2 =	seq.s32 @!p0 s5, $0x0  }
0x1f: {  	s9 =	smul.u32 $0xF7A, s1;
	s8 =	simm.s32 @!p0 $0x1BF5;
	p2 =	por !p2, p0  }
0x20: {  	[sflag:s8] =	ssyncset.s32 @!p0 $0xFFFFF086;
	s6 =	sadd.s32 @!p0 s3, s7;
	s7 =	simm.s32 @!p0 $0x108  }
0x21: {  	s3 =	sadd.s32 s3, s9;
	s6 =	sadd.s32 @!p0 $0x88, s6;
	s7 =	simm.s32 @p2 $0x1082  }
0x22: {  	[simem:s7], [sflag:s8] =	dma.local @!p0 [hbm:s6], $0xF7A  }
0x23: {  	s9 =	sor.u32 $0xD0000000, s2;
	s6 =	simm.s32 $0x108;
	_ =	swait.ge @!p0 [sflag:s8], $0x0  }
0x24: {  	s3 =	sadd.s32 $0x88, s3;
	s6 =	simm.s32 @!p1 $0x1082;
	[sflag:s4] =	ssyncset.s32 $0xFFFFF086  }
0x25: {  	[simem:s6], [sflag:s4] =	dma.local [hbm:s3], $0xF7A  }
0x26: {  	[smem:$0x3FA0] =	sst s1;
	(tag) =	ssettag s2;
	_ =	strace s9  }
0x27: {  	s1 =	sld [smem:$0x3FB0]  }
0x28: {  	s2 =	sld [smem:$0x3FB1]  }
0x29: {  	s4 =	sld [smem:$0x3FB3]  }
0x2a: {  	p0 =	seq.s32 s5, $0x0;
	s5 =	sld [smem:$0x3FB4]  }
0x2b: {  	s6 =	sld [smem:$0x3FB5]  }
0x2c: {  	s7 =	sld [smem:$0x3FB6]  }
0x2d: {  	s3 =	simm.s32 $0x108;
	s8 =	sld [smem:$0x3FB7]  }
0x2e: {  	s3 =	simm.s32 @!p0 $0x1082;
	s9 =	sld [smem:$0x3FB8]  }
0x2f: {  	lr =	sadd.s32 s0, s3;
	s0 =	sld [smem:$0x3FAF]  }
0x30: {  	s3 =	sld [smem:$0x3FB2]  }
0x31: {  	[smem:$0x3FBB] =	sst s10  }
0x32: {  	s10 =	sld [smem:$0x3FB9];
	_ =	sdelay $0x3  }
0x33: {  	p0 =	seq.s32 s10, $0x1;
	s10 =	sld [smem:$0x3FBB];
	_ =	sdelay $0x3  }
0x34: {  	[smem:$0x3FBB] =	sst s10  }
0x35: {  	s10 =	sld [smem:$0x3FBA];
	_ =	sdelay $0x3  }
0x36: {  	p1 =	seq.s32 s10, $0x1;
	s10 =	sld [smem:$0x3FBB];
	_ =	sdelay $0x3  }
0x37: {  	[smem:$0x3FBB] =	sst s10  }
0x38: {  	s10 =	sld [smem:$0x3FBC]  }
0x39: {  	_ = 	snop;
	(pc) =	sbr.ind lr, $3  }
0x3a: {  	_ = 	snop  }
0x3b: {  	_ = 	snop  }
0x3c: {  	p2 =	seq.s32 s10, $0x1;
	s10 =	sld [smem:$0x3FBB]  }
0x3d: {  	_ =	shalt  }
0x3e: {  	_ =	shalt  }
0x3f: {  	_ =	shalt  }
0x40: {  	_ =	shalt  }
0x41: {  	_ =	shalt  }
0x42: {  	_ =	shalt  }
0x43: {  	_ =	shalt  }
0x44: {  	_ =	shalt  }
0x45: {  	_ =	shalt  }
0x46: {  	_ =	shalt  }
0x47: {  	_ =	shalt  }
0x48: {  	_ =	shalt  }
0x49: {  	_ =	shalt  }
0x4a: {  	_ =	shalt  }
0x4b: {  	_ =	shalt  }
0x4c: {  	_ =	shalt  }
0x4d: {  	_ =	shalt  }
0x4e: {  	_ =	shalt  }
0x4f: {  	_ =	shalt  }
0x50: {  	_ =	shalt  }
0x51: {  	_ =	shalt  }
0x52: {  	_ =	shalt  }
0x53: {  	_ =	shalt  }
0x54: {  	_ =	shalt  }
0x55: {  	_ =	shalt  }
0x56: {  	_ =	shalt  }
0x57: {  	_ =	shalt  }
0x58: {  	_ =	shalt  }
0x59: {  	_ =	shalt  }
0x5a: {  	_ =	shalt  }
0x5b: {  	_ =	shalt  }
0x5c: {  	_ =	shalt  }
0x5d: {  	_ =	shalt  }
0x5e: {  	_ =	shalt  }
0x5f: {  	_ =	shalt  }
0x60: {  	_ =	shalt  }
0x61: {  	_ =	shalt  }
0x62: {  	_ =	shalt  }
0x63: {  	_ =	shalt  }
0x64: {  	_ =	shalt  }
0x65: {  	_ =	shalt  }
0x66: {  	_ =	shalt  }
0x67: {  	_ =	shalt  }
0x68: {  	_ =	shalt  }
0x69: {  	_ =	shalt  }
0x6a: {  	_ =	shalt  }
0x6b: {  	_ =	shalt  }
0x6c: {  	_ =	shalt  }
0x6d: {  	_ =	shalt  }
0x6e: {  	_ =	shalt  }
0x6f: {  	_ =	shalt  }
0x70: {  	_ =	shalt  }
0x71: {  	_ =	shalt  }
0x72: {  	_ =	shalt  }
0x73: {  	_ =	shalt  }
0x74: {  	_ =	shalt  }
0x75: {  	_ =	shalt  }
0x76: {  	_ =	shalt  }
0x77: {  	_ =	shalt  }
0x78: {  	_ =	shalt  }
0x79: {  	_ =	shalt  }
0x7a: {  	_ =	shalt  }
0x7b: {  	_ =	shalt  }
0x7c: {  	_ =	shalt  }
0x7d: {  	_ =	shalt  }
0x7e: {  	_ =	shalt  }
0x7f: {  	_ =	shalt  }
0x80: {  	_ =	shalt  }
0x81: {  	_ =	shalt  }
0x82: {  	_ =	shalt  }
0x83: {  	_ =	shalt  }
0x84: {  	_ =	shalt  }
0x85: {  	_ =	shalt  }
0x86: {  	_ =	shalt  }
0x87: {  	_ =	shalt  }
.Lfunc_end0:
.L_simem_size_0:
called_computation_lowered:
.L_overlay_start_0:
0x88: {  	s2 =	sld [smem:$0x3FD9]  }
0x89: {  	s3 =	sld [smem:$0x3FFE];
	_ =	sdelay $0x1  }
0x8a: {  	s1 =	srdreg.scid  }
0x8b: {  	s0 =	sand.u32 $0x1, s1  }
0x8c: {  	s15 =	sshll.u32 s0, $0xA;
	s2 =	sadd.s32 s3, s2  }
0x8d: {  	s2 =	sadd.s32 s2, s15  }
0x8e: {  	[smem:$0x3FC7] =	sst s2  }
0x8f: {  	_ = 	snop  }
0x90: {  	s2 =	sld [smem:$0x3FD0];
	_ =	sdelay $0x2  }
0x91: {  	s4 =	simm.s32 $0xA;
	s5 =	simm.s32 $0x10;
	s16 =	sld [smem:$0x3FC9]  }
0x92: {  	[smem:s5], [sflag:s4] =	dma.local [hbm:s2], $0x1  }
0x93: {  	_ =	swait.eq [sflag:s4], $0x1  }
0x94: {  	[sflag:s4] =	ssyncset.done $0x0  }
0x95: {  	[sflag:s4] =	ssyncadd.s32 $0xFFFFFFFF  }
0x96: {  	s17 =	sld [smem:$0x11];
	(tm) =	ssettm $0x1  }
0x97: {  	s18 =	sld [smem:$0x3FFB];
	_ =	sdelay $0x3  }
0x98: {  	_ =	strace s18  }
0x99: {  	s4 =	sld [smem:$0x3FFC];
	_ =	sdelay $0x3  }
0x9a: {  	_ =	strace s4  }
0x9b: {  	s4 =	sld [smem:$0x3FFD];
	_ =	sdelay $0x3  }
0x9c: {  	_ =	strace s4  }
0x9d: {  	_ =	strace $0x8FFFFFFF  }
0x9e: {  	s19 =	sld [smem:$0x3FDB];
	_ =	sdelay $0x1  }
0x9f: {  	s20 =	simm.s32 $_scs_section_size  }
0xa0: {  	s6 =	simm.s32 $_size__tile_overlayer_lowered;
	s7 =	simm.s32 $_tile_overlayer_lowered  }
0xa1: {  	s23 =	simm.s32 $0x1BFF;
	s22 =	sshll.u32 s7, $0x1;
	s4 =	sadd.s32 s20, s19  }
0xa2: {  	s8 =	simm.s32 $0x0;
	s21 =	sshll.u32 s6, $0x1;
	s6 =	sadd.s32 s22, s4  }
0xa3: {  	[timem:s8], [sflag:s23] =	dma.local [hbm:s6], s21  }
0xa4: {  	_ =	swait.ge [sflag:s23], s21  }
0xa5: {  	s5 =	ssub.s32 $0x0, s21;
	[sflag:s23] =	ssyncset.done $0x0  }
0xa6: {  	[sflag:s23] =	ssyncadd.s32 s5;
	_ =	sdelay $0x1  }
0xa7: {  	s24 =	simm.s32 $0x1B8B  }
0xa8: {  	_ =	swait.ge [sflag:s24], $0x1  }
0xa9: {  	[sflag:s24] =	ssyncset.done $0x0  }
0xaa: {  	s25 =	simm.s32 $0x1B8E;
	[sflag:s24] =	ssyncadd.s32 $0xFFFFFFFF  }
0xab: {  	s26 =	simm.s32 $execute0_lowered;
	[smem:$0x3FD2] =	sst s25  }
0xac: {  	s5 =	sshll.u32 s26, $0x1;
	_ =	strace $0x80000046;
	[dreg:$0x1] =	wrdreg $0xFFFFFFFF  }
0xad: {  	s28 =	simm.s32 $_size_execute0_lowered;
	s4 =	sadd.s32 s4, s5;
	[dreg:$0x0] =	wrdreg $0x0  }
0xae: {  	s5 =	sshll.u32 s28, $0x1;
	[dreg:$0x2] =	wrdreg s4  }
0xaf: {  	[dreg:$0x3] =	wrdreg s5  }
0xb0: {  	[dreg:$0x4] =	wrdreg $0xC0  }
0xb1: {  	_ =	task [dreg:s8], $0x5FFFF  }
0xb2: {  	[dreg:$0x1] =	wrdreg $0xFFFFFFFF  }
0xb3: {  	[dreg:$0x0] =	wrdreg $0x60  }
0xb4: {  	[dreg:$0x2] =	wrdreg s16  }
0xb5: {  	[dreg:$0x3] =	wrdreg s17  }
0xb6: {  	[dreg:$0x4] =	wrdreg $0x9  }
0xb7: {  	_ =	task.clear_ibuf [dreg:s8], $0x5FFFF;
	_ =	strace $0x90000046  }
0xb8: {  	s29 =	simm.s32 $0x9;
	_ =	strace $0x80000048  }
0xb9: {  	_ =	swait.ge [sflag:s29], $0x1  }
0xba: {  	[sflag:s29] =	ssyncadd.s32 $0xFFFFFFFF  }
0xbb: {  	_ =	strace $0x90000048  }
0xbc: {  	_ =	sfence  }
0xbd: {  	s30 =	sld [smem:$0x0];
	_ =	sdelay $0x2  }
0xbe: {  	s31 =	sshll.u32 s1, $0xD;
	s1 =	sshrl.u32 s1, $0x2  }
0xbf: {  	s3 =	sand.u32 $0x4000, s31;
	s1 =	sadd.s32 s1, s30  }
0xc0: {  	s0 =	sor.u32 s3, s0;
	s1 =	sshll.u32 s1, $0x11  }
0xc1: {  	s0 =	sor.u32 s1, s0  }
0xc2: {  	s0 =	sadd.s32 $0x8F2B, s0  }
0xc3: {  	[sflag:s0] =	ssyncadd.remote.s32 $0x1  }
0xc4: {  	_ =	sfence.sel $0xFFFF  }
0xc5: {  	[dreg:$0x0] =	wrdreg $0xFFFFFFFF;
	(pc) =	sbr.abs _section_cstart, $3  }
0xc6: {  	[dreg:$0x1] =	wrdreg $0xFFFFFFFF  }
0xc7: {  	_ =	task.clear_ibuf [dreg:s8], $0x2FFFF;
	_ =	strace $0x9FFFFFFF  }
0xc8: {  	(tm) =	ssettm $0x7FFFFFFF  }
0xc9: {  	_ =	shalt  }
tec
execute0_lowered:
.L_overlay_start_1:
0x0: {  	(tag) =	ssettag $0x1  }
0x1: {  	s1 =	srdreg.scid;
	s2 =	rddreg [dreg:$0x0]  }
0x2: {  	s0 =	stileid.u32;
	s3 =	rddreg [dreg:$0x1]  }
0x3: {  	s9 =	simm.s32 $0x4000;
	s10 =	simm.s32 $0x1;
	s11 =	simm.s32 $0x8000  }
0x4: {  	s12 =	simm.s32 $0x2;
	s13 =	simm.s32 $0x4;
	s14 =	simm.s32 $0xC000  }
0x5: {  	s15 =	simm.s32 $0x3;
	s16 =	simm.s32 $0x0;
	s6 =	sand.u32 $0x1, s1  }
.Ltmp0:
0x6: {  	s4 =	sshll.u32 s0, $0x15;
	s5 =	sshll.u32 s6, $0x14;
	(pc) =	sbr.rel .LBB2_1-.Ltmp0, $4  }
0x7: {  	s1 =	rddreg [dreg:$0x2];
	s7 =	ssub.s32 $0x2, s6;
	s4 =	sor.u32 s5, s4  }
0x8: {  	s5 =	simm.s32 $0x0;
	s8 =	sshrl.u32 s7, $0x1;
	s31 =	sshrl.u32 s4, $0x3  }
0x9: {  	[smem:$0x7FF] =	sst s5;
	s8 =	ssub.s32 s7, s8;
	s6 =	sadd.s32 s2, s31  }
0xa: {  	v0 =	vimm.f32 $-1.562500000e-02;
	_ =	strace $0x80000047;
	s8 =	smax.u32 s8, $0x1;
	s7 =	sadd.s32 $0x800, s6  }
.LBB2_12:
0xb: {  	s16 =	sadd.s32 $0x1, s16  }
0xc: {  	_ =	swait.ge [sflag:s15], $0x4000;
	p0 =	sne.s32 s16, s8  }
.Ltmp1:
0xd: {  	[sflag:s15] =	ssyncset.done $0x0;
	(pc) =	sbr.rel @!p0 .LBB2_13-.Ltmp1, $4  }
0xe: {  	[sflag:s15] =	ssyncadd.s32 $0xFFFFC000  }
0xf: {  	_ =	swait.ge [sflag:s13], $0x4000  }
0x10: {  	[sflag:s13] =	ssyncset.done $0x0  }
0x11: {  	[sflag:s13] =	ssyncadd.s32 $0xFFFFC000  }
.LBB2_1:
0x12: {  	[tilespmem:s5], [sflag:$0x1] =	stream.linear.gather [hbm4b:s6+s5], $0x4000, $0x38;
	[tilespmem:$0x10000] =	vst v63  }
0x13: {  	s17 =	simm.s32 $0x0  }
0x14: {  	[tilespmem:s9], [sflag:$0x2] =	stream.linear.gather [hbm4b:s7+s5], $0x4000, $0x38;
	[tilespmem:$0x10000] =	vst v63  }
.LBB2_2:
0x15: {  	_ =	swait.ge [sflag:s10], $0x4000  }
0x16: {  	p0 =	seq.s32 s17, $0x0;
	[sflag:s10] =	ssyncset.done $0x0  }
0x17: {  	s18 =	simm.s32 @!p0 $0x3;
	[sflag:s10] =	ssyncadd.s32 $0xFFFFC000  }
0x18: {  	_ =	swait.ge @!p0 [sflag:s18], $0x4000  }
0x19: {  	[sflag:s18] =	ssyncset.done @!p0 $0x0  }
0x1a: {  	s21 =	simm.s32 $0x40;
	[sflag:s18] =	ssyncadd.s32 @!p0 $0xFFFFC000  }
0x1b: {  	v1 =	vld [tilespmem:s21+$0xFFFFFFE0]  }
0x1c: {  	v2 =	vld [tilespmem:s21+$0x30]  }
0x1d: {  	v3 =	vld [tilespmem:s21+$0x10]  }
0x1e: {  	v4 =	vld [tilespmem:s21+$0xFFFFFFC0]  }
0x1f: {  	v5 =	vld [tilespmem:s21+$0xFFFFFFF0]  }
0x20: {  	v6 =	vld [tilespmem:s21+$0xFFFFFFD0];
	_ =	sdelay $0x1  }
0x21: {  	v7 =	vld [tilespmem:s21+$0x0];
	v1 =	vmax.f32 v1, $-3.984375000e+00;
	v2 =	vmax.f32 v2, $-3.984375000e+00  }
0x22: {  	v8 =	vmin.f32 v1, $3.984375000e+00;
	v1 =	vmax.f32 v3, $-3.984375000e+00;
	v2 =	vmin.f32 v2, $3.984375000e+00  }
0x23: {  	v3 =	vmax.f32 v4, $-3.984375000e+00;
	v4 =	vadd.f32 $2.621480000e+05, v2;
	v10 =	vmin.f32 v1, $3.984375000e+00  }
0x24: {  	v12 =	vmax.f32 v6, $-3.984375000e+00;
	v1 =	vmax.f32 v5, $-3.984375000e+00;
	v5 =	vadd.f32 $2.621480000e+05, v10  }
0x25: {  	v3 =	vmin.f32 v3, $3.984375000e+00;
	v9 =	vadd.f32 $2.621480000e+05, v8;
	v11 =	vadd.f32 $-2.621480000e+05, v4  }
0x26: {  	v4 =	vmin.f32 v1, $3.984375000e+00;
	v1 =	vmax.f32 v7, $-3.984375000e+00;
	v13 =	vadd.f32 $-2.621480000e+05, v5  }
0x27: {  	v6 =	vadd.f32 $-2.621480000e+05, v9;
	v9 =	vadd.f32 $2.621480000e+05, v3;
	v5 =	vld [tilespmem:s21+$0x20];
	vm0 =	vgt.f32 v2, v11  }
0x28: {  	v1 =	vmin.f32 v1, $3.984375000e+00;
	v2 =	vsel vm0, $0x3C800000, v0;
	vm0 =	vgt.f32 v10, v13  }
0x29: {  	s31 =	sshll.u32 s17, $0xF;
	s19 =	simm.s32 $0x8040;
	s20 =	simm.s32 $0x0;
	v7 =	vadd.f32 $2.621480000e+05, v4;
	v14 =	vsel vm0, $0x3C800000, v0;
	v10 =	vadd.f32 v2, v11  }
0x2a: {  	s22 =	simm.s32 $0x8040;
	s18 =	sor.u32 s4, s31;
	s21 =	simm.s32 $0xC0;
	v2 =	vmin.f32 v12, $3.984375000e+00;
	vm0 =	vgt.f32 v8, v6;
	v8 =	vadd.f32 v14, v13  }
.LBB2_3:
0x2b: {  	v11 =	vld [tilespmem:s21+$0xFFFFFFE0];
	s20 =	sadd.s32 $0x80, s20;
	v9 =	vadd.f32 $-2.621480000e+05, v9;
	v12 =	vadd.f32 $2.621480000e+05, v1;
	[tilespmem:s19+$0x30] =	vst v10;
	s22 =	sadd.s32 $0x80, s22  }
0x2c: {  	v13 =	vsel vm0, $0x3C800000, v0;
	v7 =	vadd.f32 $-2.621480000e+05, v7;
	v5 =	vmax.f32 v5, $-3.984375000e+00;
	v10 =	vld [tilespmem:s21+$0x30];
	[tilespmem:s19+$0x10] =	vst v8  }
0x2d: {  	p1 =	slt.u32 s20, $0x3F80;
	v8 =	vld [tilespmem:s21+$0xFFFFFFC0];
	vm0 =	vgt.f32 v3, v9;
	v3 =	vadd.f32 v13, v6;
	v6 =	vmin.f32 v5, $3.984375000e+00  }
0x2e: {  	v13 =	vld [tilespmem:s21+$0x10];
	v5 =	vsel vm0, $0x3C800000, v0;
	vm0 =	vgt.f32 v4, v7;
	v4 =	vadd.f32 $2.621480000e+05, v6  }
0x2f: {  	v15 =	vadd.f32 $2.621480000e+05, v2;
	v14 =	vld [tilespmem:s21+$0xFFFFFFF0];
	v9 =	vadd.f32 v5, v9;
	v16 =	vsel vm0, $0x3C800000, v0  }
0x30: {  	v11 =	vmax.f32 v11, $-3.984375000e+00;
	v5 =	vld [tilespmem:s21+$0x20];
	[tilespmem:s19+$0xFFFFFFE0] =	vst v3;
	v3 =	vadd.f32 v16, v7;
	v7 =	vadd.f32 $-2.621480000e+05, v12  }
0x31: {  	v12 =	vld [tilespmem:s21+$0xFFFFFFD0];
	v11 =	vmin.f32 v11, $3.984375000e+00;
	[tilespmem:s19+$0xFFFFFFC0] =	vst v9;
	v9 =	vadd.f32 $-2.621480000e+05, v15;
	v15 =	vadd.f32 $-2.621480000e+05, v4  }
0x32: {  	v10 =	vmax.f32 v10, $-3.984375000e+00;
	v4 =	vmax.f32 v8, $-3.984375000e+00;
	v8 =	vld [tilespmem:s21+$0x0];
	[tilespmem:s19+$0xFFFFFFF0] =	vst v3;
	vm0 =	vgt.f32 v1, v7  }
0x33: {  	v10 =	vmin.f32 v10, $3.984375000e+00;
	v1 =	vmax.f32 v13, $-3.984375000e+00;
	vm1 =	vgt.f32 v6, v15  }
0x34: {  	v6 =	vadd.f32 $2.621480000e+05, v10;
	v13 =	vsel vm0, $0x3C800000, v0;
	v16 =	vsel vm1, $0x3C800000, v0  }
0x35: {  	v3 =	vmin.f32 v4, $3.984375000e+00;
	vm0 =	vgt.f32 v2, v9;
	v17 =	vmin.f32 v1, $3.984375000e+00  }
0x36: {  	v1 =	vadd.f32 $2.621480000e+05, v11;
	v2 =	vmax.f32 v14, $-3.984375000e+00;
	v14 =	vadd.f32 $-2.621480000e+05, v6  }
0x37: {  	v4 =	vmin.f32 v2, $3.984375000e+00;
	v2 =	vadd.f32 $2.621480000e+05, v17;
	v6 =	vsel vm0, $0x3C800000, v0  }
0x38: {  	v12 =	vmax.f32 v12, $-3.984375000e+00;
	vm0 =	vgt.f32 v10, v14;
	v10 =	vadd.f32 v16, v15  }
.Ltmp2:
0x39: {  	v8 =	vmax.f32 v8, $-3.984375000e+00;
	v15 =	vadd.f32 $-2.621480000e+05, v2;
	v2 =	vadd.f32 v6, v9;
	(pc) =	sbr.rel @p1 .LBB2_3-.Ltmp2, $4  }
0x3a: {  	v6 =	vadd.f32 $-2.621480000e+05, v1;
	v1 =	vmin.f32 v8, $3.984375000e+00;
	v8 =	vsel vm0, $0x3C800000, v0;
	[tilespmem:s19+$0x20] =	vst v10  }
0x3b: {  	v13 =	vadd.f32 v13, v7;
	v9 =	vadd.f32 $2.621480000e+05, v3;
	vm0 =	vgt.f32 v17, v15;
	[tilespmem:s19+$0xFFFFFFD0] =	vst v2  }
0x3c: {  	v7 =	vadd.f32 $2.621480000e+05, v4;
	v16 =	vsel vm0, $0x3C800000, v0;
	v10 =	vadd.f32 v8, v14  }
0x3d: {  	s21 =	sadd.s32 $0x80, s21;
	vm0 =	vgt.f32 v11, v6;
	v2 =	vmin.f32 v12, $3.984375000e+00;
	v8 =	vadd.f32 v16, v15;
	[tilespmem:s19+$0x0] =	vst v13;
	s19 =	smov.u32 s22  }
0x3e: {  	v5 =	vmax.f32 v5, $-3.984375000e+00  }
0x3f: {  	v9 =	vadd.f32 $-2.621480000e+05, v9;
	v5 =	vmin.f32 v5, $3.984375000e+00  }
0x40: {  	v11 =	vsel vm0, $0x3C800000, v0;
	v7 =	vadd.f32 $-2.621480000e+05, v7;
	v12 =	vadd.f32 $2.621480000e+05, v5  }
0x41: {  	v59 =	vadd.f32 $2.621480000e+05, v2;
	v60 =	vadd.f32 $2.621480000e+05, v1;
	vm12 =	vgt.f32 v3, v9  }
0x42: {  	v3 =	vadd.f32 v11, v6;
	vm13 =	vgt.f32 v4, v7;
	v12 =	vadd.f32 $-2.621480000e+05, v12  }
0x43: {  	[tilespmem:s19+$0x30] =	vst v10;
	v6 =	vadd.f32 $-2.621480000e+05, v59;
	v63 =	vadd.f32 $-2.621480000e+05, v60;
	v13 =	vsel vm12, $0x3C800000, v0  }
0x44: {  	[tilespmem:s19+$0x10] =	vst v8;
	v62 =	vsel vm13, $0x3C800000, v0;
	v61 =	vadd.f32 v13, v9;
	vm14 =	vgt.f32 v5, v12  }
0x45: {  	[tilespmem:s19+$0xFFFFFFE0] =	vst v3;
	v3 =	vadd.f32 v62, v7;
	vm15 =	vgt.f32 v2, v6;
	v5 =	vsel vm14, $0x3C800000, v0  }
0x46: {  	p1 =	sne.s32 s17, $0x1F;
	vm1 =	vgt.f32 v1, v63;
	v1 =	vsel vm15, $0x3C800000, v0;
	[tilespmem:s19+$0xFFFFFFC0] =	vst v61;
	v2 =	vadd.f32 v5, v12  }
.Ltmp3:
0x47: {  	[tilespmem:s19+$0xFFFFFFF0] =	vst v3;
	v3 =	vsel vm1, $0x3C800000, v0;
	v1 =	vadd.f32 v1, v6;
	(pc) =	sbr.rel @p1 .LBB2_6-.Ltmp3, $4  }
0x48: {  	[tilespmem:s19+$0x20] =	vst v2;
	v2 =	vadd.f32 v3, v63  }
0x49: {  	s18 =	sshrl.u32 s18, $0x3;
	[tilespmem:s19+$0xFFFFFFD0] =	vst v1  }
0x4a: {  	s31 =	sadd.s32 s3, s18;
	[tilespmem:s19+$0x0] =	vst v2  }
0x4b: {  	[hbm4b:s31+s5] =	stream.linear.scatter [tilespmem:s11], [sflag:$0x3], $0x4000, $0x38;
	[tilespmem:$0x10000] =	vst v63  }
.Ltmp4:
0x4c: {  	(pc) =	sbr.rel .LBB2_7-.Ltmp4, $4  }
0x4d: {  	_ = 	snop  }
0x4e: {  	_ =	swait.ge [sflag:s12], $0x4000  }
0x4f: {  	[sflag:s12] =	ssyncset.done $0x0  }
0x50: {  	[sflag:s12] =	ssyncadd.s32 $0xFFFFC000  }
.LBB2_6:
0x51: {  	s19 =	sadd.s32 s2, s18  }
.Ltmp5:
0x52: {  	s19 =	sadd.s32 $0x1000, s19;
	(pc) =	sbr.rel @p0 .LBB2_8-.Ltmp5, $4  }
0x53: {  	[tilespmem:s5], [sflag:$0x1] =	stream.linear.gather [hbm4b:s19+s5], $0x4000, $0x38;
	[tilespmem:$0x10000] =	vst v63  }
0x54: {  	_ =	swait.ge [sflag:s12], $0x4000  }
0x55: {  	[sflag:s12] =	ssyncset.done $0x0  }
0x56: {  	[sflag:s12] =	ssyncadd.s32 $0xFFFFC000  }
.LBB2_7:
0x57: {  	_ =	swait.ge [sflag:s13], $0x4000  }
0x58: {  	[sflag:s13] =	ssyncset.done $0x0  }
0x59: {  	[sflag:s13] =	ssyncadd.s32 $0xFFFFC000  }
.LBB2_8:
0x5a: {  	s21 =	simm.s32 $0x4040  }
0x5b: {  	v1 =	vld [tilespmem:s21+$0xFFFFFFE0]  }
0x5c: {  	v2 =	vld [tilespmem:s21+$0x30]  }
0x5d: {  	v3 =	vld [tilespmem:s21+$0x10]  }
0x5e: {  	v4 =	vld [tilespmem:s21+$0xFFFFFFC0]  }
0x5f: {  	v5 =	vld [tilespmem:s21+$0xFFFFFFF0]  }
0x60: {  	v6 =	vld [tilespmem:s21+$0xFFFFFFD0];
	_ =	sdelay $0x1  }
0x61: {  	v7 =	vld [tilespmem:s21+$0x0];
	v1 =	vmax.f32 v1, $-3.984375000e+00;
	v2 =	vmax.f32 v2, $-3.984375000e+00  }
0x62: {  	v8 =	vmin.f32 v1, $3.984375000e+00;
	v1 =	vmax.f32 v3, $-3.984375000e+00;
	v2 =	vmin.f32 v2, $3.984375000e+00  }
0x63: {  	v3 =	vmax.f32 v4, $-3.984375000e+00;
	v4 =	vadd.f32 $2.621480000e+05, v2;
	v9 =	vmin.f32 v1, $3.984375000e+00  }
0x64: {  	v12 =	vmax.f32 v6, $-3.984375000e+00;
	v1 =	vmax.f32 v5, $-3.984375000e+00;
	v5 =	vadd.f32 $2.621480000e+05, v9  }
0x65: {  	v3 =	vmin.f32 v3, $3.984375000e+00;
	v10 =	vadd.f32 $2.621480000e+05, v8;
	v11 =	vadd.f32 $-2.621480000e+05, v4  }
0x66: {  	v4 =	vmin.f32 v1, $3.984375000e+00;
	v1 =	vmax.f32 v7, $-3.984375000e+00;
	v13 =	vadd.f32 $-2.621480000e+05, v5  }
0x67: {  	v6 =	vadd.f32 $-2.621480000e+05, v10;
	v10 =	vadd.f32 $2.621480000e+05, v3;
	v5 =	vld [tilespmem:s21+$0x20];
	vm0 =	vgt.f32 v2, v11  }
0x68: {  	v1 =	vmin.f32 v1, $3.984375000e+00;
	v2 =	vsel vm0, $0x3C800000, v0;
	vm0 =	vgt.f32 v9, v13  }
0x69: {  	s19 =	simm.s32 $0xC040;
	v7 =	vadd.f32 $2.621480000e+05, v4;
	v14 =	vsel vm0, $0x3C800000, v0;
	v9 =	vadd.f32 v2, v11  }
0x6a: {  	s20 =	simm.s32 $0x0;
	s22 =	simm.s32 $0xC040;
	s21 =	simm.s32 $0x40C0;
	v2 =	vmin.f32 v12, $3.984375000e+00;
	vm0 =	vgt.f32 v8, v6;
	v8 =	vadd.f32 v14, v13  }
.LBB2_9:
0x6b: {  	v11 =	vld [tilespmem:s21+$0xFFFFFFE0];
	s20 =	sadd.s32 $0x80, s20;
	v10 =	vadd.f32 $-2.621480000e+05, v10;
	v12 =	vadd.f32 $2.621480000e+05, v1;
	[tilespmem:s19+$0x30] =	vst v9;
	s22 =	sadd.s32 $0x80, s22  }
0x6c: {  	v13 =	vsel vm0, $0x3C800000, v0;
	v7 =	vadd.f32 $-2.621480000e+05, v7;
	v5 =	vmax.f32 v5, $-3.984375000e+00;
	v9 =	vld [tilespmem:s21+$0x30];
	[tilespmem:s19+$0x10] =	vst v8  }
0x6d: {  	p0 =	slt.u32 s20, $0x3F80;
	v8 =	vld [tilespmem:s21+$0xFFFFFFC0];
	vm0 =	vgt.f32 v3, v10;
	v3 =	vadd.f32 v13, v6;
	v6 =	vmin.f32 v5, $3.984375000e+00  }
0x6e: {  	v13 =	vld [tilespmem:s21+$0x10];
	v5 =	vsel vm0, $0x3C800000, v0;
	vm0 =	vgt.f32 v4, v7;
	v4 =	vadd.f32 $2.621480000e+05, v6  }
0x6f: {  	v15 =	vadd.f32 $2.621480000e+05, v2;
	v14 =	vld [tilespmem:s21+$0xFFFFFFF0];
	v10 =	vadd.f32 v5, v10;
	v16 =	vsel vm0, $0x3C800000, v0  }
0x70: {  	v11 =	vmax.f32 v11, $-3.984375000e+00;
	v5 =	vld [tilespmem:s21+$0x20];
	[tilespmem:s19+$0xFFFFFFE0] =	vst v3;
	v3 =	vadd.f32 v16, v7;
	v7 =	vadd.f32 $-2.621480000e+05, v12  }
0x71: {  	v12 =	vld [tilespmem:s21+$0xFFFFFFD0];
	v11 =	vmin.f32 v11, $3.984375000e+00;
	[tilespmem:s19+$0xFFFFFFC0] =	vst v10;
	v10 =	vadd.f32 $-2.621480000e+05, v15;
	v15 =	vadd.f32 $-2.621480000e+05, v4  }
0x72: {  	v9 =	vmax.f32 v9, $-3.984375000e+00;
	v4 =	vmax.f32 v8, $-3.984375000e+00;
	v8 =	vld [tilespmem:s21+$0x0];
	[tilespmem:s19+$0xFFFFFFF0] =	vst v3;
	vm0 =	vgt.f32 v1, v7  }
0x73: {  	v9 =	vmin.f32 v9, $3.984375000e+00;
	v1 =	vmax.f32 v13, $-3.984375000e+00;
	vm1 =	vgt.f32 v6, v15  }
0x74: {  	v6 =	vadd.f32 $2.621480000e+05, v9;
	v13 =	vsel vm0, $0x3C800000, v0;
	v16 =	vsel vm1, $0x3C800000, v0  }
0x75: {  	v3 =	vmin.f32 v4, $3.984375000e+00;
	vm0 =	vgt.f32 v2, v10;
	v17 =	vmin.f32 v1, $3.984375000e+00  }
0x76: {  	v1 =	vadd.f32 $2.621480000e+05, v11;
	v2 =	vmax.f32 v14, $-3.984375000e+00;
	v14 =	vadd.f32 $-2.621480000e+05, v6  }
0x77: {  	v4 =	vmin.f32 v2, $3.984375000e+00;
	v2 =	vadd.f32 $2.621480000e+05, v17;
	v6 =	vsel vm0, $0x3C800000, v0  }
0x78: {  	v12 =	vmax.f32 v12, $-3.984375000e+00;
	vm0 =	vgt.f32 v9, v14;
	v9 =	vadd.f32 v16, v15  }
.Ltmp6:
0x79: {  	v8 =	vmax.f32 v8, $-3.984375000e+00;
	v15 =	vadd.f32 $-2.621480000e+05, v2;
	v2 =	vadd.f32 v6, v10;
	(pc) =	sbr.rel @p0 .LBB2_9-.Ltmp6, $4  }
0x7a: {  	v6 =	vadd.f32 $-2.621480000e+05, v1;
	v1 =	vmin.f32 v8, $3.984375000e+00;
	v8 =	vsel vm0, $0x3C800000, v0;
	[tilespmem:s19+$0x20] =	vst v9  }
0x7b: {  	v13 =	vadd.f32 v13, v7;
	v10 =	vadd.f32 $2.621480000e+05, v3;
	vm0 =	vgt.f32 v17, v15;
	[tilespmem:s19+$0xFFFFFFD0] =	vst v2  }
0x7c: {  	v7 =	vadd.f32 $2.621480000e+05, v4;
	v16 =	vsel vm0, $0x3C800000, v0;
	v9 =	vadd.f32 v8, v14  }
0x7d: {  	s21 =	sadd.s32 $0x80, s21;
	vm0 =	vgt.f32 v11, v6;
	v2 =	vmin.f32 v12, $3.984375000e+00;
	v8 =	vadd.f32 v16, v15;
	[tilespmem:s19+$0x0] =	vst v13;
	s19 =	smov.u32 s22  }
0x7e: {  	v5 =	vmax.f32 v5, $-3.984375000e+00  }
0x7f: {  	v10 =	vadd.f32 $-2.621480000e+05, v10;
	v5 =	vmin.f32 v5, $3.984375000e+00  }
0x80: {  	v11 =	vsel vm0, $0x3C800000, v0;
	v7 =	vadd.f32 $-2.621480000e+05, v7;
	v12 =	vadd.f32 $2.621480000e+05, v5  }
0x81: {  	v59 =	vadd.f32 $2.621480000e+05, v2;
	v60 =	vadd.f32 $2.621480000e+05, v1;
	vm12 =	vgt.f32 v3, v10  }
0x82: {  	v3 =	vadd.f32 v11, v6;
	vm13 =	vgt.f32 v4, v7;
	v12 =	vadd.f32 $-2.621480000e+05, v12  }
0x83: {  	[tilespmem:s19+$0x30] =	vst v9;
	v6 =	vadd.f32 $-2.621480000e+05, v59;
	v63 =	vadd.f32 $-2.621480000e+05, v60;
	v13 =	vsel vm12, $0x3C800000, v0  }
0x84: {  	[tilespmem:s19+$0x10] =	vst v8;
	v62 =	vsel vm13, $0x3C800000, v0;
	v61 =	vadd.f32 v13, v10;
	vm14 =	vgt.f32 v5, v12  }
0x85: {  	[tilespmem:s19+$0xFFFFFFE0] =	vst v3;
	v3 =	vadd.f32 v62, v7;
	vm15 =	vgt.f32 v2, v6;
	v5 =	vsel vm14, $0x3C800000, v0  }
0x86: {  	p0 =	seq.s32 s17, $0x1F;
	vm1 =	vgt.f32 v1, v63;
	v1 =	vsel vm15, $0x3C800000, v0;
	[tilespmem:s19+$0xFFFFFFC0] =	vst v61;
	v2 =	vadd.f32 v5, v12  }
.Ltmp7:
0x87: {  	[tilespmem:s19+$0xFFFFFFF0] =	vst v3;
	v3 =	vsel vm1, $0x3C800000, v0;
	v1 =	vadd.f32 v1, v6;
	(pc) =	sbr.rel @p0 .LBB2_12-.Ltmp7, $4  }
0x88: {  	[tilespmem:s19+$0x20] =	vst v2;
	v2 =	vadd.f32 v3, v63  }
0x89: {  	s20 =	sadd.s32 s18, s3;
	[tilespmem:s19+$0xFFFFFFD0] =	vst v1  }
0x8a: {  	s31 =	sadd.s32 $0x800, s20;
	[tilespmem:s19+$0x0] =	vst v2  }
0x8b: {  	[hbm4b:s31+s5] =	stream.linear.scatter [tilespmem:s14], [sflag:$0x4], $0x4000, $0x38;
	[tilespmem:$0x10000] =	vst v63  }
.Ltmp8:
0x8c: {  	(pc) =	sbr.rel .LBB2_2-.Ltmp8, $4  }
0x8d: {  	_ = 	snop  }
0x8e: {  	s18 =	sadd.s32 s2, s18  }
0x8f: {  	s17 =	sadd.s32 $0x1, s17;
	s18 =	sadd.s32 $0x1800, s18  }
0x90: {  	[tilespmem:s9], [sflag:$0x2] =	stream.linear.gather [hbm4b:s18+s5], $0x4000, $0x38;
	[tilespmem:$0x10000] =	vst v63  }
.LBB2_13:
0x91: {  	_ =	sfence.sel $0x180000  }
0x92: {  	[bflag:$0x0] =	sbarrier.arrive $0xFFFF  }
0x93: {  	p0 =	sne.s32 s0, $0x0;
	_ =	strace $0x90000047  }
0x94: {  	s0 =	sadd.s32 @!p0 $0x100000, s1;
	[bflag:$0x2] =	sbarrier.arrive $0xFFFF  }
0x95: {  	[sflag:s0] =	ssyncadd.tile.s32 @!p0 $0x1;
	_ =	shalt  }
.Lfunc_end2:
_tile_overlayer_lowered:
.L_overlay_start_2:
0x96: {  	(tag) =	ssettag $0x2  }
0x97: {  	s0 =	rddreg [dreg:$0x0];
	s2 =	stileid.u32  }
0x98: {  	s1 =	rddreg [dreg:$0x1];
	p0 =	sne.s32 s2, $0x0  }
0x99: {  	s3 =	rddreg [dreg:$0x2];
	[bflag:$0x3] =	sbarrier.arrive $0xFFFF;
	s2 =	simm.s32 @!p0 $0x1C05  }
0x9a: {  	[timem:s3], [sflag:s2] =	dma.local @!p0 [hbm:s0], s1  }
0x9b: {  	s0 =	simm.s32 @!p0 $0x5  }
0x9c: {  	_ =	swait.ge @!p0 [sflag:s0], s1  }
0x9d: {  	s1 =	ssub.s32 @!p0 $0x0, s1;
	[sflag:s0] =	ssyncset.done @!p0 $0x0  }
0x9e: {  	[sflag:s0] =	ssyncadd.s32 @!p0 s1  }
0x9f: {  	[bflag:$0x3] =	sbarrier.arrive $0xFFFF  }
0xa0: {  	_ =	shalt  }

</sc_bundles>
